<compile_context>
chip_gen: v7x
topology: tpu7x:2x2x1
jax: 0.10.2.dev20260603
libtpu: 0.0.44.dev20260713+nightly
codegen_flags: <defaults>
</compile_context>

<pallas_src>
import functools

import jax
import jax.numpy as jnp
from jax import lax
from jax.experimental import pallas as pl
from jax.experimental.pallas import tpu as pltpu
from jax.experimental.pallas import tpu_sc as plsc


def _sc_gather_build(total, n):
    info = plsc.get_sparse_core_info()
    nw = info.num_cores * info.num_subcores
    bpw = n // nw
    mesh = plsc.VectorSubcoreMesh(core_axis_name="c", subcore_axis_name="s")

    @functools.partial(
        pl.kernel,
        mesh=mesh,
        out_type=jax.ShapeDtypeStruct((n,), jnp.float32),
        scratch_types=[
            pltpu.VMEM((bpw,), jnp.int32),
            pltpu.VMEM((bpw,), jnp.float32),
            pltpu.SemaphoreType.DMA,
        ],
    )
    def gather_k(x_hbm, idx_hbm, out_hbm, idx_v, val_v, sem):
        wid = lax.axis_index("s") * info.num_cores + lax.axis_index("c")
        base = wid * bpw
        pltpu.sync_copy(idx_hbm.at[pl.ds(base, bpw)], idx_v)
        pltpu.async_copy(x_hbm.at[idx_v], val_v, sem).wait()
        pltpu.sync_copy(val_v, out_hbm.at[pl.ds(base, bpw)])

    return gather_k


def _stream_body(nc, ck, n, v, s,
                 x_ref, tgt_ref, lab_ref,
                 lu_ref, ent_ref, loss_ref, a1_ref, a5_ref, a20_ref,
                 m_s, s1_s, s2_s, cg_s, ceq_s):
    c = pl.program_id(0)

    @pl.when(c == 0)
    def _init():
        m_s[...] = jnp.full_like(m_s, -jnp.inf)
        s1_s[...] = jnp.zeros_like(s1_s)
        s2_s[...] = jnp.zeros_like(s2_s)
        cg_s[...] = jnp.zeros_like(cg_s)
        ceq_s[...] = jnp.zeros_like(ceq_s)

    x = x_ref[...]
    col = c * ck + lax.broadcasted_iota(jnp.int32, (n, ck), 1)
    vcol = col < v
    xm = jnp.where(vcol, x, -jnp.inf)
    cmax = jnp.max(xm, axis=1, keepdims=True)
    m_old = m_s[...]
    m_new = jnp.maximum(m_old, cmax)
    scale = jnp.exp(m_old - m_new)
    e = jnp.exp(xm - m_new)
    s1_s[...] = s1_s[...] * scale + jnp.sum(e, axis=1, keepdims=True)
    s2_s[...] = s2_s[...] * scale + jnp.sum(
        jnp.where(vcol, e * x, 0.0), axis=1, keepdims=True)
    m_s[...] = m_new

    t = tgt_ref[...]
    lab = lab_ref[...]
    cg_s[...] += jnp.sum(
        jnp.where(vcol & (x > t), 1.0, 0.0), axis=1, keepdims=True)
    ceq_s[...] += jnp.sum(
        jnp.where(vcol & (x == t) & (col < lab), 1.0, 0.0),
        axis=1, keepdims=True)

    @pl.when(c == nc - 1)
    def _fin():
        m = m_s[...]
        s1 = s1_s[...]
        lse = m + jnp.log(s1)
        ce = lse - t
        ent = lse - s2_s[...] / s1
        rank = cg_s[...] + ceq_s[...]
        row = lax.broadcasted_iota(jnp.int32, (n, 1), 0)
        pos = row % s
        keep = (pos < (s - 1)) & (lab >= 0)
        denom = jnp.float32(1.0) / jnp.float32((n // s) * (s - 1))
        lu = jnp.where(keep, ce, 0.0)
        lu_ref[...] = lu
        ent_ref[...] = jnp.where(keep, ent, 0.0)
        loss_ref[...] = jnp.sum(lu).reshape(1, 1) * denom
        a1_ref[...] = jnp.sum(
            jnp.where(keep & (rank < 1), 1.0, 0.0)).reshape(1, 1) * denom
        a5_ref[...] = jnp.sum(
            jnp.where(keep & (rank < 5), 1.0, 0.0)).reshape(1, 1) * denom
        a20_ref[...] = jnp.sum(
            jnp.where(keep & (rank < 20), 1.0, 0.0)).reshape(1, 1) * denom


def _tc_stream(x2d, tgt, lab, s, ck=2048):
    n, v = x2d.shape
    nc = pl.cdiv(v, ck)
    body = functools.partial(_stream_body, nc, ck, n, v, s)
    one = jax.ShapeDtypeStruct((1, 1), jnp.float32)
    return pl.pallas_call(
        body,
        grid=(nc,),
        in_specs=[
            pl.BlockSpec((n, ck), lambda c: (0, c)),
            pl.BlockSpec((n, 1), lambda c: (0, 0)),
            pl.BlockSpec((n, 1), lambda c: (0, 0)),
        ],
        out_specs=[
            pl.BlockSpec((n, 1), lambda c: (0, 0)),
            pl.BlockSpec((n, 1), lambda c: (0, 0)),
            pl.BlockSpec((1, 1), lambda c: (0, 0)),
            pl.BlockSpec((1, 1), lambda c: (0, 0)),
            pl.BlockSpec((1, 1), lambda c: (0, 0)),
            pl.BlockSpec((1, 1), lambda c: (0, 0)),
        ],
        out_shape=[
            jax.ShapeDtypeStruct((n, 1), jnp.float32),
            jax.ShapeDtypeStruct((n, 1), jnp.float32),
            one, one, one, one,
        ],
        scratch_shapes=[pltpu.VMEM((n, 1), jnp.float32)] * 5,
    )(x2d, tgt, lab)


def kernel(logits, labels):
    b, s, v = logits.shape
    n = b * s
    extra = jnp.full((b, 1), -100, dtype=labels.dtype)
    shift_labels = jnp.concatenate([labels[:, 1:], extra], axis=1).reshape(-1)
    valid = shift_labels >= 0
    safe_labels = jnp.where(valid, shift_labels, 0).astype(jnp.int32)

    flat_idx = jnp.arange(n, dtype=jnp.int32) * v + safe_labels
    tgt = _sc_gather_build(n * v, n)(logits.reshape(-1), flat_idx)

    x2d = logits.reshape(n, v)
    lu, ent, loss, a1, a5, a20 = _tc_stream(
        x2d, tgt.reshape(n, 1),
        shift_labels.astype(jnp.int32).reshape(n, 1), s)

    lu_out = lu[:, 0].reshape(b, s)[:, : s - 1].reshape(-1)
    ent_out = ent[:, 0].reshape(b, s)[:, : s - 1].reshape(-1)
    sc = lambda z: z.reshape(())
    return (sc(loss), lu_out, ent_out, sc(a1), sc(a5), sc(a20))

# --- scband reference (transcript-rebuilt; emitter-appended) ---
"""Pipeline reference for scband-compute-metrics-15444702397236 (READ-ONLY COPY).

The authoritative reference and input builder live on the scoring server;
editing this copy changes nothing except your own understanding.
"""

import jax, jax.numpy as jnp
import numpy as np

B, S, V = 16, 32, 100000

def setup_inputs(seed: int = 0) -> dict:
    key = jax.random.key(seed)
    k1, k2 = jax.random.split(key)
    logits = jax.random.normal(k1, (B, S, V), dtype=jnp.float32)
    labels = jax.random.randint(k2, (B, S), 0, V, dtype=jnp.int32)
    return {"logits": logits, "labels": labels}

def reference(logits, labels):
    b, s, v = logits.shape
    extra_ignored = jnp.full((b, 1), -100, dtype=labels.dtype)
    shift_labels = jnp.concatenate([labels[:, 1:], extra_ignored], axis=1).reshape(-1)
    shift_logits = logits.reshape(-1, v)
    valid = shift_labels >= 0
    safe_labels = jnp.where(valid, shift_labels, 0)
    # cross entropy (unreduced), matching Fast_CrossEntropyLoss: lse - logit[target]
    lse = jax.nn.logsumexp(shift_logits, axis=-1)
    tgt = jnp.take_along_axis(shift_logits, safe_labels[:, None], axis=-1)[:, 0]
    ce = lse - tgt
    keep = valid.reshape(b, s)[:, : s - 1].reshape(-1)
    loss_unreduced = jnp.where(keep, ce.reshape(b, s)[:, : s - 1].reshape(-1), 0.0)
    # focal_loss_gamma == 0 so optimized loss == plain CE
    loss = loss_unreduced.mean()
    # top-k accuracy for k in [1, 5, 20]
    max_k = 20
    _, top_k_predictions = jax.lax.top_k(shift_logits, max_k)
    top_k_kept = jnp.where(
        keep[:, None],
        top_k_predictions.reshape(b, s, max_k)[:, : s - 1].reshape(-1, max_k),
        0,
    )
    lbl = jnp.where(keep, shift_labels.reshape(b, s)[:, : s - 1].reshape(-1), -1)[:, None]
    accuracies = []
    for k in (1, 5, 20):
        acc = jnp.any(top_k_kept[:, :k] == lbl, axis=-1).astype(jnp.float32).mean()
        accuracies.append(acc)
    # categorical entropy: H = lse - sum(p * logits)
    p = jax.nn.softmax(shift_logits, axis=-1)
    ent = lse - jnp.sum(p * shift_logits, axis=-1)
    entropy = jnp.where(keep, ent.astype(jnp.float32).reshape(b, s)[:, : s - 1].reshape(-1), 0.0)
    return (loss, loss_unreduced, entropy, *accuracies)

if __name__ == "__main__":
    import jax
    _d = setup_inputs()
    print(jax.jit(kernel)(*tuple(_d.values())))

</pallas_src>

<mosaic_0001>
#map = affine_map<(d0, d1) -> (0)>
module attributes {stable_mosaic.version = 14 : i64} {
  func.func @gather_k(%arg0: i32, %arg1: i32, %arg2: memref<51200000xf32, #tpu.memory_space<hbm>>, %arg3: memref<512xi32, #tpu.memory_space<hbm>>, %arg4: memref<512xf32, #tpu.memory_space<hbm>>, %arg5: memref<16xi32, #tpu.memory_space<vmem>>, %arg6: memref<16xf32, #tpu.memory_space<vmem>>, %arg7: memref<!tpu.dma_semaphore, #tpu.memory_space<semaphore_mem>>) attributes {dimension_semantics = [#tpu.dimension_semantics<core_parallel>, #tpu.dimension_semantics<subcore_parallel>], iteration_bounds = array<i64: 2, 16>, scalar_prefetch = 0 : i64, scratch_operands = 3 : i64, tpu.core_type = #tpu.core_type<sc_vector_subcore>, window_params = [{transform_indices = #map}, {transform_indices = #map}, {transform_indices = #map}]} {
    %mul3A = arith.constant 2 : i32
    %mul3A_0 = arith.muli %arg1, %mul3A : i32
    %add3A = arith.addi %mul3A_0, %arg0 : i32
    %mul3A_1 = arith.constant 16 : i32
    %mul3A_2 = arith.muli %add3A, %mul3A_1 : i32
    "tpu.region"() ({
      %run_scoped3A = tpu.sem_alloc : memref<!tpu.dma_semaphore, #tpu.memory_space<semaphore_mem>>
      %dma_start3A_5 = tpu.memref_slice %arg3[%mul3A_2] : memref<512xi32, #tpu.memory_space<hbm>> -> memref<16xi32, #tpu.memory_space<hbm>>
      %dma_start3A_6 = tpu.memref_slice %arg3[%mul3A_2] : memref<512xi32, #tpu.memory_space<hbm>> -> memref<16xi32, #tpu.memory_space<hbm>>
      tpu.enqueue_dma source(%dma_start3A_6 : memref<16xi32, #tpu.memory_space<hbm>>) target(%arg5 : memref<16xi32, #tpu.memory_space<vmem>>) target_semaphore(%run_scoped3A : memref<!tpu.dma_semaphore, #tpu.memory_space<semaphore_mem>>)
      %dma_wait3A_7 = tpu.memref_slice %arg3[%mul3A_2] : memref<512xi32, #tpu.memory_space<hbm>> -> memref<16xi32, #tpu.memory_space<hbm>>
      %dma_wait3A_8 = tpu.memref_slice %arg3[%mul3A_2] : memref<512xi32, #tpu.memory_space<hbm>> -> memref<16xi32, #tpu.memory_space<hbm>>
      tpu.wait_dma2 semaphore(%run_scoped3A : memref<!tpu.dma_semaphore, #tpu.memory_space<semaphore_mem>>) src(%dma_wait3A_8 : memref<16xi32, #tpu.memory_space<hbm>>) dst(%arg5 : memref<16xi32, #tpu.memory_space<vmem>>)
      tpu.yield
    }) : () -> ()
    %dma_start3A = arith.constant 0 : i32
    %dma_start3A_3 = tpu.memref_slice %arg2[%dma_start3A] : memref<51200000xf32, #tpu.memory_space<hbm>> -> memref<51200000xf32, #tpu.memory_space<hbm>>
    tpu.enqueue_indirect_dma source(%dma_start3A_3 : memref<51200000xf32, #tpu.memory_space<hbm>>) target(%arg6 : memref<16xf32, #tpu.memory_space<vmem>>) offsets(%arg5 : memref<16xi32, #tpu.memory_space<vmem>>) semaphore(%arg7 : memref<!tpu.dma_semaphore, #tpu.memory_space<semaphore_mem>>)
    %dma_wait3A = arith.constant 0 : i32
    %dma_wait3A_4 = tpu.memref_slice %arg2[%dma_wait3A] : memref<51200000xf32, #tpu.memory_space<hbm>> -> memref<51200000xf32, #tpu.memory_space<hbm>>
    tpu.wait_indirect_dma semaphore(%arg7 : memref<!tpu.dma_semaphore, #tpu.memory_space<semaphore_mem>>) src(%dma_wait3A_4 : memref<51200000xf32, #tpu.memory_space<hbm>>) dst(%arg6 : memref<16xf32, #tpu.memory_space<vmem>>)
    "tpu.region"() ({
      %run_scoped3A = tpu.sem_alloc : memref<!tpu.dma_semaphore, #tpu.memory_space<semaphore_mem>>
      %dma_start3A_5 = tpu.memref_slice %arg4[%mul3A_2] : memref<512xf32, #tpu.memory_space<hbm>> -> memref<16xf32, #tpu.memory_space<hbm>>
      %dma_start3A_6 = tpu.memref_slice %arg4[%mul3A_2] : memref<512xf32, #tpu.memory_space<hbm>> -> memref<16xf32, #tpu.memory_space<hbm>>
      tpu.enqueue_dma source(%arg6 : memref<16xf32, #tpu.memory_space<vmem>>) target(%dma_start3A_6 : memref<16xf32, #tpu.memory_space<hbm>>) target_semaphore(%run_scoped3A : memref<!tpu.dma_semaphore, #tpu.memory_space<semaphore_mem>>)
      %dma_wait3A_7 = tpu.memref_slice %arg4[%mul3A_2] : memref<512xf32, #tpu.memory_space<hbm>> -> memref<16xf32, #tpu.memory_space<hbm>>
      %dma_wait3A_8 = tpu.memref_slice %arg4[%mul3A_2] : memref<512xf32, #tpu.memory_space<hbm>> -> memref<16xf32, #tpu.memory_space<hbm>>
      tpu.wait_dma2 semaphore(%run_scoped3A : memref<!tpu.dma_semaphore, #tpu.memory_space<semaphore_mem>>) src(%arg6 : memref<16xf32, #tpu.memory_space<vmem>>) dst(%dma_wait3A_8 : memref<16xf32, #tpu.memory_space<hbm>>)
      tpu.yield
    }) : () -> ()
    return
  }
}

module attributes {stable_mosaic.version = 14 : i64} {
  func.func @_stream_body(%arg0: i32, %arg1: memref<512x2048xf32, #tpu.memory_space<vmem>>, %arg2: memref<512x1xf32, #tpu.memory_space<vmem>>, %arg3: memref<512x1xi32, #tpu.memory_space<vmem>>, %arg4: memref<512x1xf32, #tpu.memory_space<vmem>>, %arg5: memref<512x1xf32, #tpu.memory_space<vmem>>, %arg6: memref<1x1xf32, #tpu.memory_space<vmem>>, %arg7: memref<1x1xf32, #tpu.memory_space<vmem>>, %arg8: memref<1x1xf32, #tpu.memory_space<vmem>>, %arg9: memref<1x1xf32, #tpu.memory_space<vmem>>, %arg10: memref<512x1xf32, #tpu.memory_space<vmem>>, %arg11: memref<512x1xf32, #tpu.memory_space<vmem>>, %arg12: memref<512x1xf32, #tpu.memory_space<vmem>>, %arg13: memref<512x1xf32, #tpu.memory_space<vmem>>, %arg14: memref<512x1xf32, #tpu.memory_space<vmem>>) attributes {dimension_semantics = [#tpu.dimension_semantics<arbitrary>], iteration_bounds = array<i64: 49>, scalar_prefetch = 0 : i64, scratch_operands = 5 : i64, tpu.core_type = #tpu.core_type<tc>, window_params = [{transform_indices = @transform_0, window_bounds = array<i64: 512, 2048>}, {pipeline_mode = #tpu.pipeline_mode<synchronous>, transform_indices = @transform_1, window_bounds = array<i64: 512, 1>}, {pipeline_mode = #tpu.pipeline_mode<synchronous>, transform_indices = @transform_2, window_bounds = array<i64: 512, 1>}, {pipeline_mode = #tpu.pipeline_mode<synchronous>, transform_indices = @transform_3, window_bounds = array<i64: 512, 1>}, {pipeline_mode = #tpu.pipeline_mode<synchronous>, transform_indices = @transform_4, window_bounds = array<i64: 512, 1>}, {pipeline_mode = #tpu.pipeline_mode<synchronous>, transform_indices = @transform_5, window_bounds = array<i64: 1, 1>}, {pipeline_mode = #tpu.pipeline_mode<synchronous>, transform_indices = @transform_6, window_bounds = array<i64: 1, 1>}, {pipeline_mode = #tpu.pipeline_mode<synchronous>, transform_indices = @transform_7, window_bounds = array<i64: 1, 1>}, {pipeline_mode = #tpu.pipeline_mode<synchronous>, transform_indices = @transform_8, window_bounds = array<i64: 1, 1>}]} {
    %eq3A = arith.constant 0 : i32
    %eq3A_0 = arith.cmpi eq, %arg0, %eq3A : i32
    %convert_element_type3A = arith.extui %eq3A_0 : i1 to i32
    %cond3A = arith.constant 0 : i32
    %cond3A_1 = arith.cmpi ne, %convert_element_type3A, %cond3A : i32
    scf.if %cond3A_1 {
      %broadcast_in_dim3A_91 = arith.constant 0xFF800000 : f32
      %broadcast_in_dim3A_92 = vector.broadcast %broadcast_in_dim3A_91 : f32 to vector<512x1xf32>
      %swap3A_93 = arith.constant 0 : index
      %swap3A_94 = arith.constant 0 : index
      %swap3A_95 = vector.load %arg10[%swap3A_93, %swap3A_94] : memref<512x1xf32, #tpu.memory_space<vmem>>, vector<512x1xf32>
      tpu.vector_store %arg10[%swap3A_93, %swap3A_94], %broadcast_in_dim3A_92 {strides = array<i32>} : memref<512x1xf32, #tpu.memory_space<vmem>>, vector<512x1xf32>,
      %broadcast_in_dim3A_96 = arith.constant 0.000000e+00 : f32
      %broadcast_in_dim3A_97 = vector.broadcast %broadcast_in_dim3A_96 : f32 to vector<512x1xf32>
      %swap3A_98 = arith.constant 0 : index
      %swap3A_99 = arith.constant 0 : index
      %swap3A_100 = vector.load %arg11[%swap3A_98, %swap3A_99] : memref<512x1xf32, #tpu.memory_space<vmem>>, vector<512x1xf32>
      tpu.vector_store %arg11[%swap3A_98, %swap3A_99], %broadcast_in_dim3A_97 {strides = array<i32>} : memref<512x1xf32, #tpu.memory_space<vmem>>, vector<512x1xf32>,
      %broadcast_in_dim3A_101 = arith.constant 0.000000e+00 : f32
      %broadcast_in_dim3A_102 = vector.broadcast %broadcast_in_dim3A_101 : f32 to vector<512x1xf32>
      %swap3A_103 = arith.constant 0 : index
      %swap3A_104 = arith.constant 0 : index
      %swap3A_105 = vector.load %arg12[%swap3A_103, %swap3A_104] : memref<512x1xf32, #tpu.memory_space<vmem>>, vector<512x1xf32>
      tpu.vector_store %arg12[%swap3A_103, %swap3A_104], %broadcast_in_dim3A_102 {strides = array<i32>} : memref<512x1xf32, #tpu.memory_space<vmem>>, vector<512x1xf32>,
      %broadcast_in_dim3A_106 = arith.constant 0.000000e+00 : f32
      %broadcast_in_dim3A_107 = vector.broadcast %broadcast_in_dim3A_106 : f32 to vector<512x1xf32>
      %swap3A_108 = arith.constant 0 : index
      %swap3A_109 = arith.constant 0 : index
      %swap3A_110 = vector.load %arg13[%swap3A_108, %swap3A_109] : memref<512x1xf32, #tpu.memory_space<vmem>>, vector<512x1xf32>
      tpu.vector_store %arg13[%swap3A_108, %swap3A_109], %broadcast_in_dim3A_107 {strides = array<i32>} : memref<512x1xf32, #tpu.memory_space<vmem>>, vector<512x1xf32>,
      %broadcast_in_dim3A_111 = arith.constant 0.000000e+00 : f32
      %broadcast_in_dim3A_112 = vector.broadcast %broadcast_in_dim3A_111 : f32 to vector<512x1xf32>
      %swap3A_113 = arith.constant 0 : index
      %swap3A_114 = arith.constant 0 : index
      %swap3A_115 = vector.load %arg14[%swap3A_113, %swap3A_114] : memref<512x1xf32, #tpu.memory_space<vmem>>, vector<512x1xf32>
      tpu.vector_store %arg14[%swap3A_113, %swap3A_114], %broadcast_in_dim3A_112 {strides = array<i32>} : memref<512x1xf32, #tpu.memory_space<vmem>>, vector<512x1xf32>,
    } else {
    }
    %get3A = arith.constant 0 : index
    %get3A_2 = arith.constant 0 : index
    %get3A_3 = vector.load %arg1[%get3A, %get3A_2] : memref<512x2048xf32, #tpu.memory_space<vmem>>, vector<512x2048xf32>
    %mul3A = arith.constant 2048 : i32
    %mul3A_4 = arith.muli %arg0, %mul3A : i32
    %iota3A = tpu.iota {dimensions = array<i32: 1>} : vector<512x2048xi32>
    %add3A = vector.broadcast %mul3A_4 : i32 to vector<512x2048xi32>
    %add3A_5 = arith.addi %add3A, %iota3A : vector<512x2048xi32>
    %lt3A = arith.constant 100000 : i32
    %lt3A_6 = vector.broadcast %lt3A : i32 to vector<512x2048xi32>
    %lt3A_7 = arith.cmpi slt, %add3A_5, %lt3A_6 : vector<512x2048xi32>
    %jit3A = arith.constant 0xFF800000 : f32
    %broadcast_in_dim3A = vector.broadcast %jit3A : f32 to vector<512x2048xf32>
    %select_n3A = arith.select %lt3A_7, %get3A_3, %broadcast_in_dim3A : vector<512x2048xi1>, vector<512x2048xf32>
    %reduce_max3A = arith.constant dense<0xFF800000> : vector<512xf32>
    %reduce_max3A_8 = vector.multi_reduction <maximumf>, %select_n3A, %reduce_max3A [1] : vector<512x2048xf32> to vector<512xf32>
    %broadcast_in_dim3A_9 = vector.shape_cast %reduce_max3A_8 : vector<512xf32> to vector<512x1xf32>
    %get3A_10 = arith.constant 0 : index
    %get3A_11 = arith.constant 0 : index
    %get3A_12 = vector.load %arg10[%get3A_10, %get3A_11] : memref<512x1xf32, #tpu.memory_space<vmem>>, vector<512x1xf32>
    %max3A = arith.maximumf %get3A_12, %broadcast_in_dim3A_9 : vector<512x1xf32>
    %sub3A = arith.subf %get3A_12, %max3A : vector<512x1xf32>
    %exp3A = math.exp %sub3A : vector<512x1xf32>
    %sub3A_13 = vector.broadcast %max3A : vector<512x1xf32> to vector<512x2048xf32>
    %sub3A_14 = arith.subf %select_n3A, %sub3A_13 : vector<512x2048xf32>
    %exp3A_15 = math.exp %sub3A_14 : vector<512x2048xf32>
    %get3A_16 = arith.constant 0 : index
    %get3A_17 = arith.constant 0 : index
    %get3A_18 = vector.load %arg11[%get3A_16, %get3A_17] : memref<512x1xf32, #tpu.memory_space<vmem>>, vector<512x1xf32>
    %mul3A_19 = arith.mulf %get3A_18, %exp3A : vector<512x1xf32>
    %reduce_sum3A = arith.constant dense<0.000000e+00> : vector<512xf32>
    %reduce_sum3A_20 = vector.multi_reduction <add>, %exp3A_15, %reduce_sum3A [1] : vector<512x2048xf32> to vector<512xf32>
    %broadcast_in_dim3A_21 = vector.shape_cast %reduce_sum3A_20 : vector<512xf32> to vector<512x1xf32>
    %add3A_22 = arith.addf %mul3A_19, %broadcast_in_dim3A_21 : vector<512x1xf32>
    %swap3A = arith.constant 0 : index
    %swap3A_23 = arith.constant 0 : index
    %swap3A_24 = vector.load %arg11[%swap3A, %swap3A_23] : memref<512x1xf32, #tpu.memory_space<vmem>>, vector<512x1xf32>
    tpu.vector_store %arg11[%swap3A, %swap3A_23], %add3A_22 {strides = array<i32>} : memref<512x1xf32, #tpu.memory_space<vmem>>, vector<512x1xf32>,
    %get3A_25 = arith.constant 0 : index
    %get3A_26 = arith.constant 0 : index
    %get3A_27 = vector.load %arg12[%get3A_25, %get3A_26] : memref<512x1xf32, #tpu.memory_space<vmem>>, vector<512x1xf32>
    %mul3A_28 = arith.mulf %get3A_27, %exp3A : vector<512x1xf32>
    %mul3A_29 = arith.mulf %exp3A_15, %get3A_3 : vector<512x2048xf32>
    %jit3A_30 = arith.constant 0.000000e+00 : f32
    %broadcast_in_dim3A_31 = vector.broadcast %jit3A_30 : f32 to vector<512x2048xf32>
    %select_n3A_32 = arith.select %lt3A_7, %mul3A_29, %broadcast_in_dim3A_31 : vector<512x2048xi1>, vector<512x2048xf32>
    %reduce_sum3A_33 = arith.constant dense<0.000000e+00> : vector<512xf32>
    %reduce_sum3A_34 = vector.multi_reduction <add>, %select_n3A_32, %reduce_sum3A_33 [1] : vector<512x2048xf32> to vector<512xf32>
    %broadcast_in_dim3A_35 = vector.shape_cast %reduce_sum3A_34 : vector<512xf32> to vector<512x1xf32>
    %add3A_36 = arith.addf %mul3A_28, %broadcast_in_dim3A_35 : vector<512x1xf32>
    %swap3A_37 = arith.constant 0 : index
    %swap3A_38 = arith.constant 0 : index
    %swap3A_39 = vector.load %arg12[%swap3A_37, %swap3A_38] : memref<512x1xf32, #tpu.memory_space<vmem>>, vector<512x1xf32>
    tpu.vector_store %arg12[%swap3A_37, %swap3A_38], %add3A_36 {strides = array<i32>} : memref<512x1xf32, #tpu.memory_space<vmem>>, vector<512x1xf32>,
    %swap3A_40 = arith.constant 0 : index
    %swap3A_41 = arith.constant 0 : index
    %swap3A_42 = vector.load %arg10[%swap3A_40, %swap3A_41] : memref<512x1xf32, #tpu.memory_space<vmem>>, vector<512x1xf32>
    tpu.vector_store %arg10[%swap3A_40, %swap3A_41], %max3A {strides = array<i32>} : memref<512x1xf32, #tpu.memory_space<vmem>>, vector<512x1xf32>,
    %get3A_43 = arith.constant 0 : index
    %get3A_44 = arith.constant 0 : index
    %get3A_45 = vector.load %arg2[%get3A_43, %get3A_44] : memref<512x1xf32, #tpu.memory_space<vmem>>, vector<512x1xf32>
    %get3A_46 = arith.constant 0 : index
    %get3A_47 = arith.constant 0 : index
    %get3A_48 = vector.load %arg3[%get3A_46, %get3A_47] : memref<512x1xi32, #tpu.memory_space<vmem>>, vector<512x1xi32>
    %get3A_49 = arith.constant 0 : index
    %get3A_50 = arith.constant 0 : index
    %get3A_51 = vector.load %arg13[%get3A_49, %get3A_50] : memref<512x1xf32, #tpu.memory_space<vmem>>, vector<512x1xf32>
    %gt3A = vector.broadcast %get3A_45 : vector<512x1xf32> to vector<512x2048xf32>
    %gt3A_52 = arith.cmpf ogt, %get3A_3, %gt3A : vector<512x2048xf32>
    %and3A = arith.andi %lt3A_7, %gt3A_52 : vector<512x2048xi1>
    %jit3A_53 = arith.constant 1.000000e+00 : f32
    %jit3A_54 = arith.constant 0.000000e+00 : f32
    %broadcast_in_dim3A_55 = vector.broadcast %jit3A_53 : f32 to vector<512x2048xf32>
    %broadcast_in_dim3A_56 = vector.broadcast %jit3A_54 : f32 to vector<512x2048xf32>
    %select_n3A_57 = arith.select %and3A, %broadcast_in_dim3A_55, %broadcast_in_dim3A_56 : vector<512x2048xi1>, vector<512x2048xf32>
    %reduce_sum3A_58 = arith.constant dense<0.000000e+00> : vector<512xf32>
    %reduce_sum3A_59 = vector.multi_reduction <add>, %select_n3A_57, %reduce_sum3A_58 [1] : vector<512x2048xf32> to vector<512xf32>
    %broadcast_in_dim3A_60 = vector.shape_cast %reduce_sum3A_59 : vector<512xf32> to vector<512x1xf32>
    %add3A_61 = arith.addf %get3A_51, %broadcast_in_dim3A_60 : vector<512x1xf32>
    %swap3A_62 = arith.constant 0 : index
    %swap3A_63 = arith.constant 0 : index
    %swap3A_64 = vector.load %arg13[%swap3A_62, %swap3A_63] : memref<512x1xf32, #tpu.memory_space<vmem>>, vector<512x1xf32>
    tpu.vector_store %arg13[%swap3A_62, %swap3A_63], %add3A_61 {strides = array<i32>} : memref<512x1xf32, #tpu.memory_space<vmem>>, vector<512x1xf32>,
    %get3A_65 = arith.constant 0 : index
    %get3A_66 = arith.constant 0 : index
    %get3A_67 = vector.load %arg14[%get3A_65, %get3A_66] : memref<512x1xf32, #tpu.memory_space<vmem>>, vector<512x1xf32>
    %eq3A_68 = vector.broadcast %get3A_45 : vector<512x1xf32> to vector<512x2048xf32>
    %eq3A_69 = arith.cmpf oeq, %get3A_3, %eq3A_68 : vector<512x2048xf32>
    %and3A_70 = arith.andi %lt3A_7, %eq3A_69 : vector<512x2048xi1>
    %lt3A_71 = vector.broadcast %get3A_48 : vector<512x1xi32> to vector<512x2048xi32>
    %lt3A_72 = arith.cmpi slt, %add3A_5, %lt3A_71 : vector<512x2048xi32>
    %and3A_73 = arith.andi %and3A_70, %lt3A_72 : vector<512x2048xi1>
    %jit3A_74 = arith.constant 1.000000e+00 : f32
    %jit3A_75 = arith.constant 0.000000e+00 : f32
    %broadcast_in_dim3A_76 = vector.broadcast %jit3A_74 : f32 to vector<512x2048xf32>
    %broadcast_in_dim3A_77 = vector.broadcast %jit3A_75 : f32 to vector<512x2048xf32>
    %select_n3A_78 = arith.select %and3A_73, %broadcast_in_dim3A_76, %broadcast_in_dim3A_77 : vector<512x2048xi1>, vector<512x2048xf32>
    %reduce_sum3A_79 = arith.constant dense<0.000000e+00> : vector<512xf32>
    %reduce_sum3A_80 = vector.multi_reduction <add>, %select_n3A_78, %reduce_sum3A_79 [1] : vector<512x2048xf32> to vector<512xf32>
    %broadcast_in_dim3A_81 = vector.shape_cast %reduce_sum3A_80 : vector<512xf32> to vector<512x1xf32>
    %add3A_82 = arith.addf %get3A_67, %broadcast_in_dim3A_81 : vector<512x1xf32>
    %swap3A_83 = arith.constant 0 : index
    %swap3A_84 = arith.constant 0 : index
    %swap3A_85 = vector.load %arg14[%swap3A_83, %swap3A_84] : memref<512x1xf32, #tpu.memory_space<vmem>>, vector<512x1xf32>
    tpu.vector_store %arg14[%swap3A_83, %swap3A_84], %add3A_82 {strides = array<i32>} : memref<512x1xf32, #tpu.memory_space<vmem>>, vector<512x1xf32>,
    %eq3A_86 = arith.constant 48 : i32
    %eq3A_87 = arith.cmpi eq, %arg0, %eq3A_86 : i32
    %convert_element_type3A_88 = arith.extui %eq3A_87 : i1 to i32
    %cond3A_89 = arith.constant 0 : i32
    %cond3A_90 = arith.cmpi ne, %convert_element_type3A_88, %cond3A_89 : i32
    scf.if %cond3A_90 {
      %get3A_91 = arith.constant 0 : index
      %get3A_92 = arith.constant 0 : index
      %get3A_93 = vector.load %arg10[%get3A_91, %get3A_92] : memref<512x1xf32, #tpu.memory_space<vmem>>, vector<512x1xf32>
      %get3A_94 = arith.constant 0 : index
      %get3A_95 = arith.constant 0 : index
      %get3A_96 = vector.load %arg11[%get3A_94, %get3A_95] : memref<512x1xf32, #tpu.memory_space<vmem>>, vector<512x1xf32>
      %log3A = math.log %get3A_96 : vector<512x1xf32>
      %add3A_97 = arith.addf %get3A_93, %log3A : vector<512x1xf32>
      %sub3A_98 = arith.subf %add3A_97, %get3A_45 : vector<512x1xf32>
      %get3A_99 = arith.constant 0 : index
      %get3A_100 = arith.constant 0 : index
      %get3A_101 = vector.load %arg12[%get3A_99, %get3A_100] : memref<512x1xf32, #tpu.memory_space<vmem>>, vector<512x1xf32>
      %div3A = arith.divf %get3A_101, %get3A_96 : vector<512x1xf32>
      %sub3A_102 = arith.subf %add3A_97, %div3A : vector<512x1xf32>
      %get3A_103 = arith.constant 0 : index
      %get3A_104 = arith.constant 0 : index
      %get3A_105 = vector.load %arg13[%get3A_103, %get3A_104] : memref<512x1xf32, #tpu.memory_space<vmem>>, vector<512x1xf32>
      %get3A_106 = arith.constant 0 : index
      %get3A_107 = arith.constant 0 : index
      %get3A_108 = vector.load %arg14[%get3A_106, %get3A_107] : memref<512x1xf32, #tpu.memory_space<vmem>>, vector<512x1xf32>
      %add3A_109 = arith.addf %get3A_105, %get3A_108 : vector<512x1xf32>
      %iota3A_110 = tpu.iota {dimensions = array<i32: 0>} : vector<512x1xi32>
      %jit3A_111 = arith.constant 32 : i32
      %eq3A_112 = arith.constant 0 : i32
      %eq3A_113 = arith.cmpi eq, %jit3A_111, %eq3A_112 : i32
      %jit3A_114 = arith.constant 1 : i32
      %select_n3A_115 = arith.select %eq3A_113, %jit3A_114, %jit3A_111 : i32
      %rem3A = vector.broadcast %select_n3A_115 : i32 to vector<512x1xi32>
      %rem3A_116 = arith.remsi %iota3A_110, %rem3A : vector<512x1xi32>
      %ne3A = arith.constant 0 : i32
      %ne3A_117 = vector.broadcast %ne3A : i32 to vector<512x1xi32>
      %ne3A_118 = arith.cmpi ne, %rem3A_116, %ne3A_117 : vector<512x1xi32>
      %lt3A_119 = arith.constant 0 : i32
      %lt3A_120 = vector.broadcast %lt3A_119 : i32 to vector<512x1xi32>
      %lt3A_121 = arith.cmpi slt, %rem3A_116, %lt3A_120 : vector<512x1xi32>
      %lt3A_122 = arith.constant 0 : i32
      %lt3A_123 = arith.cmpi slt, %select_n3A_115, %lt3A_122 : i32
      %ne3A_124 = vector.broadcast %lt3A_123 : i1 to vector<512x1xi1>
      %ne3A_125 = vector.broadcast %ne3A_124 : vector<512x1xi1> to vector<512x1xi1>
      %ne3A_126 = arith.xori %lt3A_121, %ne3A_125 : vector<512x1xi1>
      %and3A_127 = arith.andi %ne3A_126, %ne3A_118 : vector<512x1xi1>
      %add3A_128 = vector.broadcast %select_n3A_115 : i32 to vector<512x1xi32>
      %add3A_129 = arith.addi %rem3A_116, %add3A_128 : vector<512x1xi32>
      %select_n3A_130 = arith.select %and3A_127, %add3A_129, %rem3A_116 : vector<512x1xi1>, vector<512x1xi32>
      %lt3A_131 = arith.constant 31 : i32
      %lt3A_132 = vector.broadcast %lt3A_131 : i32 to vector<512x1xi32>
      %lt3A_133 = arith.cmpi slt, %select_n3A_130, %lt3A_132 : vector<512x1xi32>
      %ge3A = arith.constant 0 : i32
      %ge3A_134 = vector.broadcast %ge3A : i32 to vector<512x1xi32>
      %ge3A_135 = arith.cmpi sge, %get3A_48, %ge3A_134 : vector<512x1xi32>
      %and3A_136 = arith.andi %lt3A_133, %ge3A_135 : vector<512x1xi1>
      %div3A_137 = arith.constant 1.000000e+00 : f32
      %div3A_138 = arith.constant 4.960000e+02 : f32
      %div3A_139 = arith.divf %div3A_137, %div3A_138 : f32
      %jit3A_140 = arith.constant 0.000000e+00 : f32
      %broadcast_in_dim3A_141 = vector.broadcast %jit3A_140 : f32 to vector<512x1xf32>
      %select_n3A_142 = arith.select %and3A_136, %sub3A_98, %broadcast_in_dim3A_141 : vector<512x1xi1>, vector<512x1xf32>
      %swap3A_143 = arith.constant 0 : index
      %swap3A_144 = arith.constant 0 : index
      %swap3A_145 = vector.load %arg4[%swap3A_143, %swap3A_144] : memref<512x1xf32, #tpu.memory_space<vmem>>, vector<512x1xf32>
      tpu.vector_store %arg4[%swap3A_143, %swap3A_144], %select_n3A_142 {strides = array<i32>} : memref<512x1xf32, #tpu.memory_space<vmem>>, vector<512x1xf32>,
      %jit3A_146 = arith.constant 0.000000e+00 : f32
      %broadcast_in_dim3A_147 = vector.broadcast %jit3A_146 : f32 to vector<512x1xf32>
      %select_n3A_148 = arith.select %and3A_136, %sub3A_102, %broadcast_in_dim3A_147 : vector<512x1xi1>, vector<512x1xf32>
      %swap3A_149 = arith.constant 0 : index
      %swap3A_150 = arith.constant 0 : index
      %swap3A_151 = vector.load %arg5[%swap3A_149, %swap3A_150] : memref<512x1xf32, #tpu.memory_space<vmem>>, vector<512x1xf32>
      tpu.vector_store %arg5[%swap3A_149, %swap3A_150], %select_n3A_148 {strides = array<i32>} : memref<512x1xf32, #tpu.memory_space<vmem>>, vector<512x1xf32>,
      %reduce_sum3A_152 = vector.shape_cast %select_n3A_142 : vector<512x1xf32> to vector<1x512x1xf32>
      %reduce_sum3A_153 = arith.constant dense<0.000000e+00> : vector<1xf32>
      %reduce_sum3A_154 = vector.multi_reduction <add>, %reduce_sum3A_152, %reduce_sum3A_153 [1, 2] : vector<1x512x1xf32> to vector<1xf32>
      %reduce_sum3A_155 = vector.shape_cast %reduce_sum3A_154 : vector<1xf32> to vector<1x1x1xf32>
      %reduce_sum3A_156 = vector.extract %reduce_sum3A_155[0, 0, 0] : f32 from vector<1x1x1xf32>
      %reshape3A = vector.broadcast %reduce_sum3A_156 : f32 to vector<1x1xf32>
      %mul3A_157 = vector.broadcast %div3A_139 : f32 to vector<1x1xf32>
      %mul3A_158 = arith.mulf %reshape3A, %mul3A_157 : vector<1x1xf32>
      %swap3A_159 = arith.constant 0 : index
      %swap3A_160 = arith.constant 0 : index
      %swap3A_161 = vector.load %arg6[%swap3A_159, %swap3A_160] : memref<1x1xf32, #tpu.memory_space<vmem>>, vector<1x1xf32>
      tpu.vector_store %arg6[%swap3A_159, %swap3A_160], %mul3A_158 {strides = array<i32>} : memref<1x1xf32, #tpu.memory_space<vmem>>, vector<1x1xf32>,
      %lt3A_162 = arith.constant 1.000000e+00 : f32
      %lt3A_163 = vector.broadcast %lt3A_162 : f32 to vector<512x1xf32>
      %lt3A_164 = arith.cmpf olt, %add3A_109, %lt3A_163 : vector<512x1xf32>
      %and3A_165 = arith.andi %and3A_136, %lt3A_164 : vector<512x1xi1>
      %jit3A_166 = arith.constant 1.000000e+00 : f32
      %jit3A_167 = arith.constant 0.000000e+00 : f32
      %broadcast_in_dim3A_168 = vector.broadcast %jit3A_166 : f32 to vector<512x1xf32>
      %broadcast_in_dim3A_169 = vector.broadcast %jit3A_167 : f32 to vector<512x1xf32>
      %select_n3A_170 = arith.select %and3A_165, %broadcast_in_dim3A_168, %broadcast_in_dim3A_169 : vector<512x1xi1>, vector<512x1xf32>
      %reduce_sum3A_171 = vector.shape_cast %select_n3A_170 : vector<512x1xf32> to vector<1x512x1xf32>
      %reduce_sum3A_172 = arith.constant dense<0.000000e+00> : vector<1xf32>
      %reduce_sum3A_173 = vector.multi_reduction <add>, %reduce_sum3A_171, %reduce_sum3A_172 [1, 2] : vector<1x512x1xf32> to vector<1xf32>
      %reduce_sum3A_174 = vector.shape_cast %reduce_sum3A_173 : vector<1xf32> to vector<1x1x1xf32>
      %reduce_sum3A_175 = vector.extract %reduce_sum3A_174[0, 0, 0] : f32 from vector<1x1x1xf32>
      %reshape3A_176 = vector.broadcast %reduce_sum3A_175 : f32 to vector<1x1xf32>
      %mul3A_177 = vector.broadcast %div3A_139 : f32 to vector<1x1xf32>
      %mul3A_178 = arith.mulf %reshape3A_176, %mul3A_177 : vector<1x1xf32>
      %swap3A_179 = arith.constant 0 : index
      %swap3A_180 = arith.constant 0 : index
      %swap3A_181 = vector.load %arg7[%swap3A_179, %swap3A_180] : memref<1x1xf32, #tpu.memory_space<vmem>>, vector<1x1xf32>
      tpu.vector_store %arg7[%swap3A_179, %swap3A_180], %mul3A_178 {strides = array<i32>} : memref<1x1xf32, #tpu.memory_space<vmem>>, vector<1x1xf32>,
      %lt3A_182 = arith.constant 5.000000e+00 : f32
      %lt3A_183 = vector.broadcast %lt3A_182 : f32 to vector<512x1xf32>
      %lt3A_184 = arith.cmpf olt, %add3A_109, %lt3A_183 : vector<512x1xf32>
      %and3A_185 = arith.andi %and3A_136, %lt3A_184 : vector<512x1xi1>
      %jit3A_186 = arith.constant 1.000000e+00 : f32
      %jit3A_187 = arith.constant 0.000000e+00 : f32
      %broadcast_in_dim3A_188 = vector.broadcast %jit3A_186 : f32 to vector<512x1xf32>
      %broadcast_in_dim3A_189 = vector.broadcast %jit3A_187 : f32 to vector<512x1xf32>
      %select_n3A_190 = arith.select %and3A_185, %broadcast_in_dim3A_188, %broadcast_in_dim3A_189 : vector<512x1xi1>, vector<512x1xf32>
      %reduce_sum3A_191 = vector.shape_cast %select_n3A_190 : vector<512x1xf32> to vector<1x512x1xf32>
      %reduce_sum3A_192 = arith.constant dense<0.000000e+00> : vector<1xf32>
      %reduce_sum3A_193 = vector.multi_reduction <add>, %reduce_sum3A_191, %reduce_sum3A_192 [1, 2] : vector<1x512x1xf32> to vector<1xf32>
      %reduce_sum3A_194 = vector.shape_cast %reduce_sum3A_193 : vector<1xf32> to vector<1x1x1xf32>
      %reduce_sum3A_195 = vector.extract %reduce_sum3A_194[0, 0, 0] : f32 from vector<1x1x1xf32>
      %reshape3A_196 = vector.broadcast %reduce_sum3A_195 : f32 to vector<1x1xf32>
      %mul3A_197 = vector.broadcast %div3A_139 : f32 to vector<1x1xf32>
      %mul3A_198 = arith.mulf %reshape3A_196, %mul3A_197 : vector<1x1xf32>
      %swap3A_199 = arith.constant 0 : index
      %swap3A_200 = arith.constant 0 : index
      %swap3A_201 = vector.load %arg8[%swap3A_199, %swap3A_200] : memref<1x1xf32, #tpu.memory_space<vmem>>, vector<1x1xf32>
      tpu.vector_store %arg8[%swap3A_199, %swap3A_200], %mul3A_198 {strides = array<i32>} : memref<1x1xf32, #tpu.memory_space<vmem>>, vector<1x1xf32>,
      %lt3A_202 = arith.constant 2.000000e+01 : f32
      %lt3A_203 = vector.broadcast %lt3A_202 : f32 to vector<512x1xf32>
      %lt3A_204 = arith.cmpf olt, %add3A_109, %lt3A_203 : vector<512x1xf32>
      %and3A_205 = arith.andi %and3A_136, %lt3A_204 : vector<512x1xi1>
      %jit3A_206 = arith.constant 1.000000e+00 : f32
      %jit3A_207 = arith.constant 0.000000e+00 : f32
      %broadcast_in_dim3A_208 = vector.broadcast %jit3A_206 : f32 to vector<512x1xf32>
      %broadcast_in_dim3A_209 = vector.broadcast %jit3A_207 : f32 to vector<512x1xf32>
      %select_n3A_210 = arith.select %and3A_205, %broadcast_in_dim3A_208, %broadcast_in_dim3A_209 : vector<512x1xi1>, vector<512x1xf32>
      %reduce_sum3A_211 = vector.shape_cast %select_n3A_210 : vector<512x1xf32> to vector<1x512x1xf32>
      %reduce_sum3A_212 = arith.constant dense<0.000000e+00> : vector<1xf32>
      %reduce_sum3A_213 = vector.multi_reduction <add>, %reduce_sum3A_211, %reduce_sum3A_212 [1, 2] : vector<1x512x1xf32> to vector<1xf32>
      %reduce_sum3A_214 = vector.shape_cast %reduce_sum3A_213 : vector<1xf32> to vector<1x1x1xf32>
      %reduce_sum3A_215 = vector.extract %reduce_sum3A_214[0, 0, 0] : f32 from vector<1x1x1xf32>
      %reshape3A_216 = vector.broadcast %reduce_sum3A_215 : f32 to vector<1x1xf32>
      %mul3A_217 = vector.broadcast %div3A_139 : f32 to vector<1x1xf32>
      %mul3A_218 = arith.mulf %reshape3A_216, %mul3A_217 : vector<1x1xf32>
      %swap3A_219 = arith.constant 0 : index
      %swap3A_220 = arith.constant 0 : index
      %swap3A_221 = vector.load %arg9[%swap3A_219, %swap3A_220] : memref<1x1xf32, #tpu.memory_space<vmem>>, vector<1x1xf32>
      tpu.vector_store %arg9[%swap3A_219, %swap3A_220], %mul3A_218 {strides = array<i32>} : memref<1x1xf32, #tpu.memory_space<vmem>>, vector<1x1xf32>,
    } else {
    }
    return
  }
  func.func @transform_0(%arg0: i32) -> (i32, i32) {
    %c0_i32 = arith.constant 0 : i32
    %c0_i32_0 = arith.constant 0 : i32
    return %c0_i32, %arg0 : i32, i32
  }
  func.func @transform_1(%arg0: i32) -> (i32, i32) {
    %c0_i32 = arith.constant 0 : i32
    %c0_i32_0 = arith.constant 0 : i32
    %c0_i32_1 = arith.constant 0 : i32
    return %c0_i32, %c0_i32_0 : i32, i32
  }
  func.func @transform_2(%arg0: i32) -> (i32, i32) {
    %c0_i32 = arith.constant 0 : i32
    %c0_i32_0 = arith.constant 0 : i32
    %c0_i32_1 = arith.constant 0 : i32
    return %c0_i32, %c0_i32_0 : i32, i32
  }
  func.func @transform_3(%arg0: i32) -> (i32, i32) {
    %c0_i32 = arith.constant 0 : i32
    %c0_i32_0 = arith.constant 0 : i32
    %c0_i32_1 = arith.constant 0 : i32
    return %c0_i32, %c0_i32_0 : i32, i32
  }
  func.func @transform_4(%arg0: i32) -> (i32, i32) {
    %c0_i32 = arith.constant 0 : i32
    %c0_i32_0 = arith.constant 0 : i32
    %c0_i32_1 = arith.constant 0 : i32
    return %c0_i32, %c0_i32_0 : i32, i32
  }
  func.func @transform_5(%arg0: i32) -> (i32, i32) {
    %c0_i32 = arith.constant 0 : i32
    %c0_i32_0 = arith.constant 0 : i32
    %c0_i32_1 = arith.constant 0 : i32
    return %c0_i32, %c0_i32_0 : i32, i32
  }
  func.func @transform_6(%arg0: i32) -> (i32, i32) {
    %c0_i32 = arith.constant 0 : i32
    %c0_i32_0 = arith.constant 0 : i32
    %c0_i32_1 = arith.constant 0 : i32
    return %c0_i32, %c0_i32_0 : i32, i32
  }
  func.func @transform_7(%arg0: i32) -> (i32, i32) {
    %c0_i32 = arith.constant 0 : i32
    %c0_i32_0 = arith.constant 0 : i32
    %c0_i32_1 = arith.constant 0 : i32
    return %c0_i32, %c0_i32_0 : i32, i32
  }
  func.func @transform_8(%arg0: i32) -> (i32, i32) {
    %c0_i32 = arith.constant 0 : i32
    %c0_i32_0 = arith.constant 0 : i32
    %c0_i32_1 = arith.constant 0 : i32
    return %c0_i32, %c0_i32_0 : i32, i32
  }
}

</mosaic_0001>

<sc_bundles>
// kernel: kernel.4.cloned.1.call-start
scs
__scs_entry_jumppad:
0x0: {  	(pc) =	sbr.rel $0x88, $3  }
0x1: {  	(tag) =	ssettag $0x0;
	lr =	simm.s32 $0x1  }
0x2: {  	[smem:$0x3F9F] =	sst lr;
	_ =	strace $0xD0000000  }
0x3: {  	_ = 	snop  }
0x4: {  	_ = 	snop  }
0x5: {  	_ = 	snop  }
0x6: {  	_ = 	snop  }
0x7: {  	_ = 	snop  }
__scs_overlays_trampoline_lowered:
0x8: {  	[smem:$0x3FAE] =	sst s0  }
0x9: {  	[smem:$0x3FAF] =	sst s1  }
0xa: {  	[smem:$0x3FB0] =	sst s2  }
0xb: {  	[smem:$0x3FB1] =	sst s3  }
0xc: {  	[smem:$0x3FB2] =	sst s4  }
0xd: {  	[smem:$0x3FB3] =	sst s5  }
0xe: {  	[smem:$0x3FB4] =	sst s6  }
0xf: {  	[smem:$0x3FB5] =	sst s7  }
0x10: {  	[smem:$0x3FB6] =	sst s8  }
0x11: {  	[smem:$0x3FB7] =	sst s9;
	s0 =	simm.s32 @!p0 $0x0  }
0x12: {  	s1 =	sld [smem:$0x3F9D];
	s0 =	simm.s32 @p0 $0x1  }
0x13: {  	[smem:$0x3FB8] =	sst s0;
	s0 =	simm.s32 @!p1 $0x0  }
0x14: {  	s2 =	sld [smem:$0x3F9C];
	s0 =	simm.s32 @p1 $0x1  }
0x15: {  	[smem:$0x3FB9] =	sst s0;
	s0 =	simm.s32 @!p2 $0x0  }
0x16: {  	s3 =	sld [smem:$0x3FDB];
	s0 =	simm.s32 @p2 $0x1  }
0x17: {  	s4 =	simm.s32 $0x1BF5;
	[smem:$0x3FBB] =	sst s0  }
0x18: {  	s0 =	sld [smem:$0x3F9E];
	_ =	swait.ge [sflag:s4], $0x0  }
0x19: {  	s7 =	sld [smem:$0x3F9F]  }
0x1a: {  	s8 =	sadd.s32 $0xFFFFE003, lr  }
0x1b: {  	s9 =	sadd.s32 $0xFFFFFEF7, lr;
	s5 =	simm.s32 $0xFFFFFFFF;
	p2 =	slt.u32 s8, $0xFFFFF086  }
0x1c: {  	p1 =	slt.u32 s9, $0xF7A;
	s5 =	simm.s32 @!p2 $0x0  }
0x1d: {  	s5 =	simm.s32 @p1 $0x1;
	p0 =	seq.s32 s7, s2  }
0x1e: {  	s7 =	smul.u32 @!p0 $0xF7A, s2;
	p2 =	seq.s32 @!p0 s5, $0x0  }
0x1f: {  	s9 =	smul.u32 $0xF7A, s1;
	s8 =	simm.s32 @!p0 $0x1BF5;
	p2 =	por !p2, p0  }
0x20: {  	[sflag:s8] =	ssyncset.s32 @!p0 $0xFFFFF086;
	s6 =	sadd.s32 @!p0 s3, s7;
	s7 =	simm.s32 @!p0 $0x108  }
0x21: {  	s3 =	sadd.s32 s3, s9;
	s6 =	sadd.s32 @!p0 $0x88, s6;
	s7 =	simm.s32 @p2 $0x1082  }
0x22: {  	[simem:s7], [sflag:s8] =	dma.local @!p0 [hbm:s6], $0xF7A  }
0x23: {  	s9 =	sor.u32 $0xD0000000, s2;
	s6 =	simm.s32 $0x108;
	_ =	swait.ge @!p0 [sflag:s8], $0x0  }
0x24: {  	s3 =	sadd.s32 $0x88, s3;
	s6 =	simm.s32 @!p1 $0x1082;
	[sflag:s4] =	ssyncset.s32 $0xFFFFF086  }
0x25: {  	[simem:s6], [sflag:s4] =	dma.local [hbm:s3], $0xF7A  }
0x26: {  	[smem:$0x3F9F] =	sst s1;
	(tag) =	ssettag s2;
	_ =	strace s9  }
0x27: {  	s1 =	sld [smem:$0x3FAF]  }
0x28: {  	s2 =	sld [smem:$0x3FB0]  }
0x29: {  	s4 =	sld [smem:$0x3FB2]  }
0x2a: {  	p0 =	seq.s32 s5, $0x0;
	s5 =	sld [smem:$0x3FB3]  }
0x2b: {  	s6 =	sld [smem:$0x3FB4]  }
0x2c: {  	s7 =	sld [smem:$0x3FB5]  }
0x2d: {  	s3 =	simm.s32 $0x108;
	s8 =	sld [smem:$0x3FB6]  }
0x2e: {  	s3 =	simm.s32 @!p0 $0x1082;
	s9 =	sld [smem:$0x3FB7]  }
0x2f: {  	lr =	sadd.s32 s0, s3;
	s0 =	sld [smem:$0x3FAE]  }
0x30: {  	s3 =	sld [smem:$0x3FB1]  }
0x31: {  	[smem:$0x3FBA] =	sst s10  }
0x32: {  	s10 =	sld [smem:$0x3FB8];
	_ =	sdelay $0x3  }
0x33: {  	p0 =	seq.s32 s10, $0x1;
	s10 =	sld [smem:$0x3FBA];
	_ =	sdelay $0x3  }
0x34: {  	[smem:$0x3FBA] =	sst s10  }
0x35: {  	s10 =	sld [smem:$0x3FB9];
	_ =	sdelay $0x3  }
0x36: {  	p1 =	seq.s32 s10, $0x1;
	s10 =	sld [smem:$0x3FBA];
	_ =	sdelay $0x3  }
0x37: {  	[smem:$0x3FBA] =	sst s10  }
0x38: {  	s10 =	sld [smem:$0x3FBB]  }
0x39: {  	_ = 	snop;
	(pc) =	sbr.ind lr, $3  }
0x3a: {  	_ = 	snop  }
0x3b: {  	_ = 	snop  }
0x3c: {  	p2 =	seq.s32 s10, $0x1;
	s10 =	sld [smem:$0x3FBA]  }
0x3d: {  	_ =	shalt  }
0x3e: {  	_ =	shalt  }
0x3f: {  	_ =	shalt  }
0x40: {  	_ =	shalt  }
0x41: {  	_ =	shalt  }
0x42: {  	_ =	shalt  }
0x43: {  	_ =	shalt  }
0x44: {  	_ =	shalt  }
0x45: {  	_ =	shalt  }
0x46: {  	_ =	shalt  }
0x47: {  	_ =	shalt  }
0x48: {  	_ =	shalt  }
0x49: {  	_ =	shalt  }
0x4a: {  	_ =	shalt  }
0x4b: {  	_ =	shalt  }
0x4c: {  	_ =	shalt  }
0x4d: {  	_ =	shalt  }
0x4e: {  	_ =	shalt  }
0x4f: {  	_ =	shalt  }
0x50: {  	_ =	shalt  }
0x51: {  	_ =	shalt  }
0x52: {  	_ =	shalt  }
0x53: {  	_ =	shalt  }
0x54: {  	_ =	shalt  }
0x55: {  	_ =	shalt  }
0x56: {  	_ =	shalt  }
0x57: {  	_ =	shalt  }
0x58: {  	_ =	shalt  }
0x59: {  	_ =	shalt  }
0x5a: {  	_ =	shalt  }
0x5b: {  	_ =	shalt  }
0x5c: {  	_ =	shalt  }
0x5d: {  	_ =	shalt  }
0x5e: {  	_ =	shalt  }
0x5f: {  	_ =	shalt  }
0x60: {  	_ =	shalt  }
0x61: {  	_ =	shalt  }
0x62: {  	_ =	shalt  }
0x63: {  	_ =	shalt  }
0x64: {  	_ =	shalt  }
0x65: {  	_ =	shalt  }
0x66: {  	_ =	shalt  }
0x67: {  	_ =	shalt  }
0x68: {  	_ =	shalt  }
0x69: {  	_ =	shalt  }
0x6a: {  	_ =	shalt  }
0x6b: {  	_ =	shalt  }
0x6c: {  	_ =	shalt  }
0x6d: {  	_ =	shalt  }
0x6e: {  	_ =	shalt  }
0x6f: {  	_ =	shalt  }
0x70: {  	_ =	shalt  }
0x71: {  	_ =	shalt  }
0x72: {  	_ =	shalt  }
0x73: {  	_ =	shalt  }
0x74: {  	_ =	shalt  }
0x75: {  	_ =	shalt  }
0x76: {  	_ =	shalt  }
0x77: {  	_ =	shalt  }
0x78: {  	_ =	shalt  }
0x79: {  	_ =	shalt  }
0x7a: {  	_ =	shalt  }
0x7b: {  	_ =	shalt  }
0x7c: {  	_ =	shalt  }
0x7d: {  	_ =	shalt  }
0x7e: {  	_ =	shalt  }
0x7f: {  	_ =	shalt  }
0x80: {  	_ =	shalt  }
0x81: {  	_ =	shalt  }
0x82: {  	_ =	shalt  }
0x83: {  	_ =	shalt  }
0x84: {  	_ =	shalt  }
0x85: {  	_ =	shalt  }
0x86: {  	_ =	shalt  }
0x87: {  	_ =	shalt  }
.Lfunc_end0:
.L_simem_size_0:
called_computation_lowered:
.L_overlay_start_0:
0x88: {  	s2 =	sld [smem:$0x3FD9]  }
0x89: {  	s3 =	sld [smem:$0x3FFE];
	_ =	sdelay $0x1  }
0x8a: {  	s1 =	srdreg.scid  }
0x8b: {  	s0 =	sand.u32 $0x1, s1  }
0x8c: {  	s14 =	sshll.u32 s0, $0xA;
	s2 =	sadd.s32 s3, s2  }
0x8d: {  	s2 =	sadd.s32 s2, s14  }
0x8e: {  	[smem:$0x3FC6] =	sst s2  }
0x8f: {  	_ = 	snop  }
0x90: {  	s2 =	sld [smem:$0x3FD0];
	_ =	sdelay $0x2  }
0x91: {  	s15 =	simm.s32 $0xA;
	s4 =	simm.s32 $0x10  }
0x92: {  	[smem:s4], [sflag:s15] =	dma.local [hbm:s2], $0x1  }
0x93: {  	_ =	swait.eq [sflag:s15], $0x1  }
0x94: {  	[sflag:s15] =	ssyncset.done $0x0  }
0x95: {  	s16 =	sld [smem:$0x11];
	[sflag:s15] =	ssyncadd.s32 $0xFFFFFFFF  }
0x96: {  	s17 =	sld [smem:$0x12];
	(tm) =	ssettm $0x1  }
0x97: {  	s18 =	sld [smem:$0x3FFB];
	_ =	sdelay $0x3  }
0x98: {  	_ =	strace s18  }
0x99: {  	s4 =	sld [smem:$0x3FFC];
	_ =	sdelay $0x3  }
0x9a: {  	_ =	strace s4  }
0x9b: {  	s4 =	sld [smem:$0x3FFD];
	_ =	sdelay $0x3  }
0x9c: {  	_ =	strace s4  }
0x9d: {  	_ =	strace $0x8FFFFFFF  }
0x9e: {  	s19 =	sld [smem:$0x3FDB];
	_ =	sdelay $0x1  }
0x9f: {  	s5 =	simm.s32 $_scs_section_size  }
0xa0: {  	s6 =	simm.s32 $_size__tile_overlayer_lowered;
	s7 =	simm.s32 $_tile_overlayer_lowered  }
0xa1: {  	s22 =	simm.s32 $0x1BFF;
	s21 =	sshll.u32 s7, $0x1;
	s4 =	sadd.s32 s5, s19  }
0xa2: {  	s8 =	simm.s32 $0x0;
	s20 =	sshll.u32 s6, $0x1;
	s6 =	sadd.s32 s21, s4  }
0xa3: {  	[timem:s8], [sflag:s22] =	dma.local [hbm:s6], s20  }
0xa4: {  	_ =	swait.ge [sflag:s22], s20  }
0xa5: {  	s5 =	ssub.s32 $0x0, s20;
	[sflag:s22] =	ssyncset.done $0x0  }
0xa6: {  	[sflag:s22] =	ssyncadd.s32 s5;
	_ =	sdelay $0x1  }
0xa7: {  	s23 =	simm.s32 $0x1B8B  }
0xa8: {  	_ =	swait.ge [sflag:s23], $0x1  }
0xa9: {  	[sflag:s23] =	ssyncset.done $0x0  }
0xaa: {  	s25 =	simm.s32 $0x1B8E;
	s24 =	sld [smem:$0x3FFE];
	[sflag:s23] =	ssyncadd.s32 $0xFFFFFFFF  }
0xab: {  	s26 =	simm.s32 $execute0_lowered;
	[smem:$0x3FD2] =	sst s25  }
0xac: {  	s6 =	sshll.u32 s26, $0x1;
	_ =	strace $0x80000046;
	[dreg:$0x1] =	wrdreg $0xFFFFFFFF  }
0xad: {  	s28 =	simm.s32 $_size_execute0_lowered;
	s4 =	sadd.s32 s4, s6;
	[dreg:$0x0] =	wrdreg $0x0  }
0xae: {  	s6 =	sshll.u32 s28, $0x1;
	[dreg:$0x2] =	wrdreg s4  }
0xaf: {  	[dreg:$0x3] =	wrdreg s6  }
0xb0: {  	[dreg:$0x4] =	wrdreg $0xC0  }
0xb1: {  	_ =	task [dreg:s8], $0x5FFFF  }
0xb2: {  	[dreg:$0x1] =	wrdreg $0xFFFFFFFF  }
0xb3: {  	[dreg:$0x0] =	wrdreg $0x60  }
0xb4: {  	[dreg:$0x2] =	wrdreg s24  }
0xb5: {  	[dreg:$0x3] =	wrdreg s17  }
0xb6: {  	[dreg:$0x4] =	wrdreg s16  }
0xb7: {  	[dreg:$0x5] =	wrdreg $0x9  }
0xb8: {  	_ =	task.clear_ibuf [dreg:s8], $0x6FFFF;
	_ =	strace $0x90000046  }
0xb9: {  	s29 =	simm.s32 $0x9;
	_ =	strace $0x80000048  }
0xba: {  	_ =	swait.ge [sflag:s29], $0x1  }
0xbb: {  	[sflag:s29] =	ssyncadd.s32 $0xFFFFFFFF  }
0xbc: {  	_ =	strace $0x90000048  }
0xbd: {  	_ =	sfence  }
0xbe: {  	s30 =	sld [smem:$0x0];
	_ =	sdelay $0x2  }
0xbf: {  	s31 =	sshll.u32 s1, $0xD;
	s1 =	sshrl.u32 s1, $0x2  }
0xc0: {  	s3 =	sand.u32 $0x4000, s31;
	s1 =	sadd.s32 s1, s30  }
0xc1: {  	s0 =	sor.u32 s3, s0;
	s1 =	sshll.u32 s1, $0x11  }
0xc2: {  	s0 =	sor.u32 s1, s0  }
0xc3: {  	s0 =	sadd.s32 $0x8F2B, s0  }
0xc4: {  	[sflag:s0] =	ssyncadd.remote.s32 $0x1  }
0xc5: {  	_ =	sfence.sel $0xFFFF  }
0xc6: {  	[dreg:$0x0] =	wrdreg $0xFFFFFFFF;
	(pc) =	sbr.abs _section_cstart, $3  }
0xc7: {  	[dreg:$0x1] =	wrdreg $0xFFFFFFFF  }
0xc8: {  	_ =	task.clear_ibuf [dreg:s8], $0x2FFFF;
	_ =	strace $0x9FFFFFFF  }
0xc9: {  	(tm) =	ssettm $0x7FFFFFFF  }
tec
execute0_lowered:
.L_overlay_start_1:
0x0: {  	(tag) =	ssettag $0x1  }
0x1: {  	s5 =	rddreg [dreg:$0x0]  }
0x2: {  	s3 =	rddreg [dreg:$0x1]  }
0x3: {  	s9 =	rddreg [dreg:$0x2]  }
0x4: {  	s2 =	srdreg.scid;
	s0 =	rddreg [dreg:$0x3]  }
0x5: {  	s1 =	stileid.u32;
	s8 =	simm.s32 $0x1;
	s6 =	sand.u32 $0x1, s2  }
0x6: {  	s2 =	simm.s32 $0x0;
	s4 =	sshll.u32 s1, $0x2;
	s7 =	sshll.u32 s6, $0x1  }
0x7: {  	[smem:$0x7FF] =	sst s2;
	s11 =	ssub.s32 $0x2, s6;
	s10 =	sor.u32 s7, s4  }
0x8: {  	_ =	strace $0x80000047;
	s4 =	sadd.s32 s3, s10;
	s3 =	simm.s32 $0x2  }
0x9: {  	[tilespmem:s2], [sflag:$0x2] =	stream.linear.gather [hbm4b:s4+s2], $0x10, $0x38;
	[tilespmem:$0x100] =	vst v63  }
0xa: {  	s5 =	sadd.s32 $0x200, s5;
	s12 =	sshrl.u32 s11, $0x1;
	_ =	swait.ge [sflag:s3], $0x10  }
0xb: {  	s6 =	simm.s32 $0x10;
	s11 =	ssub.s32 s11, s12;
	[sflag:s3] =	ssyncset.done $0x0  }
0xc: {  	s7 =	simm.s32 $0x80;
	s31 =	smax.u32 s11, $0x1;
	[sflag:s3] =	ssyncadd.s32 $0xFFFFFFF0  }
0xd: {  	[tilespmem:s7], [sflag:$0x1] =	stream.indirect.gather [hbm4b:s5+s6], $0x1, s2, s6, $0xb8;
	[tilespmem:$0x100] =	vst v63  }
0xe: {  	p0 =	sne.s32 s31, $0x1;
	_ =	swait.ge [sflag:s8], $0x10  }
.Ltmp0:
0xf: {  	[sflag:s8] =	ssyncset.done $0x0;
	(pc) =	sbr.rel @!p0 .LBB2_2-.Ltmp0, $4  }
0x10: {  	s9 =	sadd.s32 s9, s10;
	[sflag:s8] =	ssyncadd.s32 $0xFFFFFFF0  }
0x11: {  	[hbm4b:s9+s2] =	stream.linear.scatter [tilespmem:s7], [sflag:$0x2], $0x10, $0x38;
	[tilespmem:$0x100] =	vst v63  }
0x12: {  	_ =	swait.ge [sflag:s3], $0x10  }
0x13: {  	s10 =	sadd.s32 $0xFFFFFFFF, s31;
	[sflag:s3] =	ssyncset.done $0x0  }
.LBB2_1:
0x14: {  	p0 =	sne.s32 s10, $0x1;
	s10 =	sadd.s32 $0xFFFFFFFF, s10;
	[sflag:s3] =	ssyncadd.s32 $0xFFFFFFF0  }
0x15: {  	[tilespmem:s2], [sflag:$0x2] =	stream.linear.gather [hbm4b:s4+s2], $0x10, $0x38;
	[tilespmem:$0x100] =	vst v63  }
0x16: {  	_ =	swait.ge [sflag:s3], $0x10  }
0x17: {  	[sflag:s3] =	ssyncset.done $0x0  }
0x18: {  	[sflag:s3] =	ssyncadd.s32 $0xFFFFFFF0  }
0x19: {  	[tilespmem:s7], [sflag:$0x1] =	stream.indirect.gather [hbm4b:s5+s6], $0x1, s2, s6, $0xb8;
	[tilespmem:$0x100] =	vst v63  }
0x1a: {  	_ =	swait.ge [sflag:s8], $0x10  }
.Ltmp1:
0x1b: {  	[sflag:s8] =	ssyncset.done $0x0;
	(pc) =	sbr.rel @p0 .LBB2_1-.Ltmp1, $4  }
0x1c: {  	[sflag:s8] =	ssyncadd.s32 $0xFFFFFFF0  }
0x1d: {  	[hbm4b:s9+s2] =	stream.linear.scatter [tilespmem:s7], [sflag:$0x2], $0x10, $0x38;
	[tilespmem:$0x100] =	vst v63  }
0x1e: {  	_ =	swait.ge [sflag:s3], $0x10  }
0x1f: {  	[sflag:s3] =	ssyncset.done $0x0  }
.LBB2_2:
0x20: {  	[sflag:s3] =	ssyncadd.s32 $0xFFFFFFF0  }
0x21: {  	_ =	sfence.sel $0x180000  }
0x22: {  	[bflag:$0x0] =	sbarrier.arrive $0xFFFF  }
0x23: {  	p0 =	sne.s32 s1, $0x0;
	_ =	strace $0x90000047  }
0x24: {  	s0 =	sadd.s32 @!p0 $0x100000, s0;
	[bflag:$0x2] =	sbarrier.arrive $0xFFFF  }
0x25: {  	[sflag:s0] =	ssyncadd.tile.s32 @!p0 $0x1;
	_ =	shalt  }
.Lfunc_end2:
_tile_overlayer_lowered:
.L_overlay_start_2:
0x26: {  	(tag) =	ssettag $0x2  }
0x27: {  	s0 =	rddreg [dreg:$0x0];
	s2 =	stileid.u32  }
0x28: {  	s1 =	rddreg [dreg:$0x1];
	p0 =	sne.s32 s2, $0x0  }
0x29: {  	s3 =	rddreg [dreg:$0x2];
	[bflag:$0x3] =	sbarrier.arrive $0xFFFF;
	s2 =	simm.s32 @!p0 $0x1C02  }
0x2a: {  	[timem:s3], [sflag:s2] =	dma.local @!p0 [hbm:s0], s1  }
0x2b: {  	s0 =	simm.s32 @!p0 $0x2  }
0x2c: {  	_ =	swait.ge @!p0 [sflag:s0], s1  }
0x2d: {  	s1 =	ssub.s32 @!p0 $0x0, s1;
	[sflag:s0] =	ssyncset.done @!p0 $0x0  }
0x2e: {  	[sflag:s0] =	ssyncadd.s32 @!p0 s1  }
0x2f: {  	[bflag:$0x3] =	sbarrier.arrive $0xFFFF  }
0x30: {  	_ =	shalt  }

</sc_bundles>
